<compile_context>
chip_gen: v7x
topology: tpu7x:2x2x1
jax: 0.10.2.dev20260603
libtpu: 0.0.44.dev20260713+nightly
codegen_flags: <defaults>
</compile_context>

<pallas_src>
import dataclasses
import functools

import jax
import jax.numpy as jnp
from jax import lax
from jax.experimental import pallas as pl
from jax.experimental.pallas import tpu as pltpu
from jax.experimental.pallas import tpu_sc as plsc

N = 10000
E = 320000
D = 128
NSC = 2
NSUB = 16
E2 = E
EPC = E2 // NSUB
NPAD = 10240
RPS = NPAD // NSUB

@functools.cache
def _get_mesh():
    return plsc.VectorSubcoreMesh(core_axis_name="c", subcore_axis_name="s",
                                  num_cores=NSC, num_subcores=NSUB)


def _sc_compiler_params():
    cp = pltpu.CompilerParams()
    if "needs_layout_passes" in pltpu.CompilerParams.__dataclass_fields__:
        cp = dataclasses.replace(cp, needs_layout_passes=False)
    return cp



def _hist_body(dst_hbm, zeros1_hbm, out_hbm, sp, lh, dstv, red, res):
    cid = lax.axis_index("c")
    sid = lax.axis_index("s")

    pltpu.sync_copy(zeros1_hbm, lh)
    pltpu.sync_copy(dst_hbm.at[pl.ds(cid * E2 + sid * EPC, EPC)], dstv)
    ones16 = jnp.ones((16,), jnp.float32)

    @pl.loop(0, EPC // 16)
    def _(g):
        idx = dstv[pl.ds(g * 16, 16)]
        plsc.addupdate_scatter(lh, [idx], ones16)

    pltpu.sync_copy(lh, sp.at[sid])
    plsc.subcore_barrier()

    r0 = sid * RPS
    pltpu.sync_copy(sp.at[:, pl.ds(r0, RPS)], red)

    @pl.loop(0, RPS // 16)
    def _(c):
        tot = red[0, pl.ds(c * 16, 16)]
        for t in range(1, NSUB):
            tot = tot + red[t, pl.ds(c * 16, 16)]
        res[pl.ds(c * 16, 16)] = tot

    pltpu.sync_copy(res, out_hbm.at[pl.ds(cid * NPAD + r0, RPS)])


GCH = 80
HALF = 10000
NHALF = EPC // HALF
NGC = HALF // GCH
PAIRS = (NGC - 1) // 2


def _agg_body(tcat_hbm, src_hbm, dst3d_hbm, zeros_hbm, out_hbm,
              acc, srcv, dstv, rows0, rows1, sem0, sem1):
    cid = lax.axis_index("c")
    sid = lax.axis_index("s")

    pltpu.sync_copy(zeros_hbm.at[pl.ds(sid * RPS, RPS)], acc.at[pl.ds(sid * RPS, RPS)])
    plsc.subcore_barrier()

    def gather(k, rbuf, sem):
        pltpu.async_copy(tcat_hbm.at[srcv.at[pl.ds(k * GCH, GCH)]], rbuf, sem)

    def gwait(rbuf, sem):
        pltpu.make_async_copy(tcat_hbm.at[srcv.at[pl.ds(0, GCH)]], rbuf, sem).wait()

    for h in range(NHALF):
        base = cid * E2 + sid * EPC + h * HALF
        pltpu.sync_copy(src_hbm.at[pl.ds(base, HALF)], srcv)
        pltpu.sync_copy(dst3d_hbm.at[NHALF * (cid * NSUB + sid) + h], dstv)
        gather(0, rows0, sem0)

        @pl.loop(0, PAIRS)
        def _(j):
            k = 2 * j
            gather(k + 1, rows1, sem1)
            gwait(rows0, sem0)
            pltpu.sync_copy(rows0, acc.at[dstv.at[k]], add=True)
            gather(k + 2, rows0, sem0)
            gwait(rows1, sem1)
            pltpu.sync_copy(rows1, acc.at[dstv.at[k + 1]], add=True)

        gwait(rows0, sem0)
        pltpu.sync_copy(rows0, acc.at[dstv.at[NGC - 1]], add=True)

    plsc.subcore_barrier()
    LAST = N - (NSUB - 1) * RPS

    @pl.when(sid < NSUB - 1)
    def _():
        pltpu.sync_copy(acc.at[pl.ds(sid * RPS, RPS)],
                        out_hbm.at[pl.ds(cid * N + sid * RPS, RPS)])

    @pl.when(sid == NSUB - 1)
    def _():
        pltpu.sync_copy(acc.at[pl.ds((NSUB - 1) * RPS, LAST)],
                        out_hbm.at[pl.ds(cid * N + (NSUB - 1) * RPS, LAST)])


@jax.jit
def _sc_hist(dst_all, zeros1):
    k = pl.kernel(
        _hist_body,
        out_type=jax.ShapeDtypeStruct((2 * NPAD,), jnp.float32),
        mesh=_get_mesh(),
        scratch_types=[
            pltpu.VMEM_SHARED((NSUB, NPAD), jnp.float32),
            pltpu.VMEM((NPAD,), jnp.float32),
            pltpu.VMEM((EPC,), jnp.int32),
            pltpu.VMEM((NSUB, RPS), jnp.float32),
            pltpu.VMEM((RPS,), jnp.float32),
        ],
        compiler_params=_sc_compiler_params(),
    )
    return k(dst_all, zeros1)


@jax.jit
def _sc_agg(tcat, src_all, dst3d, zeros128):
    k = pl.kernel(
        _agg_body,
        out_type=jax.ShapeDtypeStruct((2 * N, D), jnp.float32),
        mesh=_get_mesh(),
        scratch_types=[
            pltpu.VMEM_SHARED((NPAD, D), jnp.float32),
            pltpu.VMEM((HALF,), jnp.int32),
            pltpu.VMEM((NGC, GCH), jnp.int32),
            pltpu.VMEM((GCH, D), jnp.float32),
            pltpu.VMEM((GCH, D), jnp.float32),
            pltpu.SemaphoreType.DMA,
            pltpu.SemaphoreType.DMA,
        ],
        compiler_params=_sc_compiler_params(),
    )
    return k(tcat, src_all, dst3d, zeros128)



_BLK = 1000
_NBLK = N // _BLK


def _prep_body(x_ref, hist_ref, out_ref):
    dinv = lax.rsqrt(hist_ref[:, 0:1] + 1.0)
    out_ref[...] = dinv * x_ref[...]


@jax.jit
def _tc_prep(x, hist_all):
    return pl.pallas_call(
        _prep_body,
        grid=(2 * _NBLK,),
        in_specs=[
            pl.BlockSpec((_BLK, D), lambda i: (lax.rem(i, _NBLK), 0)),
            pl.BlockSpec((_BLK, 1), lambda i: (i, 0)),
        ],
        out_specs=pl.BlockSpec((_BLK, D), lambda i: (i, 0)),
        out_shape=jax.ShapeDtypeStruct((2 * N, D), jnp.float32),
    )(x, hist_all)


def _layer_body(aggf_ref, aggb_ref, tf_ref, tb_ref, hf_ref, hb_ref, xin_ref,
                fW_ref, fb_ref, bW_ref, bb_ref, mW_ref, mb_ref, g_ref, be_ref,
                xout_ref, tfn_ref, tbn_ref, m_sc, acc_ref, *, emit_tables):
    i = pl.program_id(0)

    @pl.when(i == 0)
    def _():
        acc_ref[...] = jnp.zeros_like(acc_ref)

    @pl.when(i < _NBLK)
    def _():
        dinvf = lax.rsqrt(hf_ref[...] + 1.0)
        dinvb = lax.rsqrt(hb_ref[...] + 1.0)
        convf = dinvf * jnp.dot(aggf_ref[...] + tf_ref[...], fW_ref[...],
                                preferred_element_type=jnp.float32) + fb_ref[...]
        convb = dinvb * jnp.dot(aggb_ref[...] + tb_ref[...], bW_ref[...],
                                preferred_element_type=jnp.float32) + bb_ref[...]
        m = (jnp.dot(convf, mW_ref[0:D, :], preferred_element_type=jnp.float32)
             + jnp.dot(convb, mW_ref[D:2 * D, :], preferred_element_type=jnp.float32)
             + mb_ref[...])
        m = jnp.maximum(m, 0.0)
        m_sc[pl.ds(i * _BLK, _BLK), :] = m
        acc_ref[0:1, :] += jnp.sum(m, axis=0, keepdims=True)
        acc_ref[1:2, :] += jnp.sum(m * m, axis=0, keepdims=True)

    @pl.when(i >= _NBLK)
    def _():
        j = i - _NBLK
        m = m_sc[pl.ds(j * _BLK, _BLK), :]
        mu = acc_ref[0:1, :] * (1.0 / N)
        var = acc_ref[1:2, :] * (1.0 / N) - mu * mu
        y = (m - mu) * lax.rsqrt(var + 1e-5) * g_ref[...] + be_ref[...]
        xout = y + xin_ref[...]
        xout_ref[...] = xout
        if emit_tables:
            tfn_ref[...] = lax.rsqrt(hf_ref[...] + 1.0) * xout
            tbn_ref[...] = lax.rsqrt(hb_ref[...] + 1.0) * xout


@functools.partial(jax.jit, static_argnames=("emit_tables",))
def _tc_layer(agg_all, tcat, hist_all, xin, fW, fb, bW, bb, mW, mb, g, be, emit_tables):
    fb2, bb2, mb2 = fb.reshape(1, D), bb.reshape(1, D), mb.reshape(1, D)
    g2, be2 = g.reshape(1, D), be.reshape(1, D)
    p1 = lambda i: (lax.min(i, _NBLK - 1), 0)
    p1b = lambda i: (lax.min(i, _NBLK - 1) + _NBLK, 0)
    p2 = lambda i: (lax.max(i - _NBLK, 0), 0)
    both = lambda i: (lax.rem(i, _NBLK), 0)
    bothb = lambda i: (lax.rem(i, _NBLK) + _NBLK, 0)
    const = lambda i: (0, 0)
    out_specs = [pl.BlockSpec((_BLK, D), p2)]
    out_shape = [jax.ShapeDtypeStruct((N, D), jnp.float32)]
    if emit_tables:
        out_specs += [pl.BlockSpec((_BLK, D), p2), pl.BlockSpec((_BLK, D), p2)]
        out_shape += [jax.ShapeDtypeStruct((N, D), jnp.float32),
                      jax.ShapeDtypeStruct((N, D), jnp.float32)]
        body = functools.partial(_layer_body, emit_tables=True)
    else:
        def body(aggf, aggb, tf, tb, hf, hb, xin, fW_, fb_, bW_, bb_, mW_, mb_, g_, be_,
                 xout, m_sc, acc):
            _layer_body(aggf, aggb, tf, tb, hf, hb, xin, fW_, fb_, bW_, bb_, mW_, mb_,
                        g_, be_, xout, None, None, m_sc, acc, emit_tables=False)
    return pl.pallas_call(
        body,
        grid=(2 * _NBLK,),
        in_specs=[
            pl.BlockSpec((_BLK, D), p1),
            pl.BlockSpec((_BLK, D), p1b),
            pl.BlockSpec((_BLK, D), p1),
            pl.BlockSpec((_BLK, D), p1b),
            pl.BlockSpec((_BLK, 1), both),
            pl.BlockSpec((_BLK, 1), bothb),
            pl.BlockSpec((_BLK, D), p2),
            pl.BlockSpec((D, D), const),
            pl.BlockSpec((1, D), const),
            pl.BlockSpec((D, D), const),
            pl.BlockSpec((1, D), const),
            pl.BlockSpec((2 * D, D), const),
            pl.BlockSpec((1, D), const),
            pl.BlockSpec((1, D), const),
            pl.BlockSpec((1, D), const),
        ],
        out_specs=out_specs,
        out_shape=out_shape,
        scratch_shapes=[pltpu.VMEM((N, D), jnp.float32),
                        pltpu.VMEM((8, D), jnp.float32)],
        compiler_params=pltpu.CompilerParams(dimension_semantics=("arbitrary",)),
    )(agg_all, agg_all, tcat, tcat,
      hist_all, hist_all, xin,
      fW, fb2, bW, bb2, mW, mb2, g2, be2)



def kernel(x, fwd_edges_index, bwd_edges_index, edge_attr,
           fwd_W0, fwd_b0, bwd_W0, bwd_b0, mW0, mb0, g0, be0,
           fwd_W1, fwd_b1, bwd_W1, bwd_b1, mW1, mb1, g1, be1):
    src_all = jnp.concatenate([fwd_edges_index[0], bwd_edges_index[0] + N])
    dst_all = jnp.concatenate([fwd_edges_index[1], bwd_edges_index[1]])
    zeros128 = jnp.zeros((NPAD, D), jnp.float32)
    zeros1 = jnp.zeros((NPAD,), jnp.float32)

    hist_pad = _sc_hist(dst_all, zeros1)
    hist_all = jnp.concatenate([hist_pad[0:N], hist_pad[NPAD:NPAD + N]]).reshape(2 * N, 1)

    tcat = _tc_prep(x, hist_all)

    dst3d = dst_all.reshape(2 * NSUB * NHALF, HALF // GCH, GCH)
    agg_all = _sc_agg(tcat, src_all, dst3d, zeros128)
    x1, tf1, tb1 = _tc_layer(agg_all, tcat, hist_all, x,
                             fwd_W0, fwd_b0, bwd_W0, bwd_b0, mW0, mb0, g0, be0, True)
    tcat1 = jnp.concatenate([tf1, tb1], axis=0)

    agg_all1 = _sc_agg(tcat1, src_all, dst3d, zeros128)
    (x2,) = _tc_layer(agg_all1, tcat1, hist_all, x1,
                      fwd_W1, fwd_b1, bwd_W1, bwd_b1, mW1, mb1, g1, be1, False)
    return x2

# --- scband reference (transcript-rebuilt; emitter-appended) ---
"""Pipeline reference for scband-gcnresidual-model-73632919323005 (READ-ONLY COPY).

The authoritative reference and input builder live on the scoring server;
editing this copy changes nothing except your own understanding.
"""

import jax, jax.numpy as jnp
import numpy as np

N = 10000
E = 320000
D = 128
H = [128, 128]


def gcn_conv(x, edge_index, W, b):
    # PyG GCNConv: add self-loops, symmetric normalization, linear, scatter-add aggregate, bias.
    n = x.shape[0]
    self_idx = jnp.arange(n, dtype=edge_index.dtype)
    src = jnp.concatenate([edge_index[0], self_idx])
    dst = jnp.concatenate([edge_index[1], self_idx])
    deg = jax.ops.segment_sum(jnp.ones(src.shape[0], dtype=x.dtype), dst, num_segments=n)
    dinv = jnp.where(deg > 0, 1.0 / jnp.sqrt(deg), 0.0)
    norm = dinv[src] * dinv[dst]
    h = x @ W
    msg = jnp.take(h, src, axis=0) * norm[:, None]
    out = jax.ops.segment_sum(msg, dst, num_segments=n)
    return out + b


def batch_norm(x, gamma, beta, eps=1e-5):
    # training-mode BatchNorm1d (batch statistics, biased variance)
    mu = jnp.mean(x, axis=0, keepdims=True)
    var = jnp.var(x, axis=0, keepdims=True)
    return (x - mu) / jnp.sqrt(var + eps) * gamma + beta


def _make_params(key):
    params = {}
    dims = [D] + H
    for li in range(len(H)):
        fi, fo = dims[li], H[li]
        s = 1.0 / np.sqrt(fi)
        sm = 1.0 / np.sqrt(2 * fo)
        ks = jax.random.split(jax.random.fold_in(key, li), 6)
        params[f"fwd_W{li}"] = jax.random.uniform(ks[0], (fi, fo), jnp.float32, -s, s)
        params[f"fwd_b{li}"] = jax.random.uniform(ks[1], (fo,), jnp.float32, -s, s)
        params[f"bwd_W{li}"] = jax.random.uniform(ks[2], (fi, fo), jnp.float32, -s, s)
        params[f"bwd_b{li}"] = jax.random.uniform(ks[3], (fo,), jnp.float32, -s, s)
        params[f"mW{li}"] = jax.random.uniform(ks[4], (2 * fo, fo), jnp.float32, -sm, sm)
        params[f"mb{li}"] = jax.random.uniform(ks[5], (fo,), jnp.float32, -sm, sm)
        params[f"g{li}"] = jnp.ones((fo,), jnp.float32)
        params[f"be{li}"] = jnp.zeros((fo,), jnp.float32)
    return params


def setup_inputs(seed: int = 0):
    key = jax.random.key(seed)
    k1, k2, k3, k4, kp = jax.random.split(key, 5)
    inp = {
        "x": jax.random.normal(k1, (N, D), dtype=jnp.float32),
        "fwd_edges_index": jax.random.randint(k2, (2, E), 0, N, dtype=jnp.int32),
        "bwd_edges_index": jax.random.randint(k3, (2, E), 0, N, dtype=jnp.int32),
        "edge_attr": jax.random.normal(k4, (E, 16), dtype=jnp.float32),
    }
    inp.update(_make_params(kp))
    return inp


def reference(x, fwd_edges_index, bwd_edges_index, edge_attr,
              fwd_W0, fwd_b0, bwd_W0, bwd_b0, mW0, mb0, g0, be0,
              fwd_W1, fwd_b1, bwd_W1, bwd_b1, mW1, mb1, g1, be1):
    # edge_attr is accepted but unused, matching the torch forward signature
    layers = [(fwd_W0, fwd_b0, bwd_W0, bwd_b0, mW0, mb0, g0, be0),
              (fwd_W1, fwd_b1, bwd_W1, bwd_b1, mW1, mb1, g1, be1)]
    for (fW, fb, bW, bb, mW, mb, g, be) in layers:
        x0 = x
        fx = gcn_conv(x, fwd_edges_index, fW, fb)
        bx = gcn_conv(x, bwd_edges_index, bW, bb)
        x = jnp.concatenate([fx, bx], axis=1) @ mW + mb
        x = jax.nn.relu(x)
        x = batch_norm(x, g, be)
        # input_size == hidden_sizes[i] for all layers, so residual is identity
        x = x + x0
    return x

if __name__ == "__main__":
    import jax
    _d = setup_inputs()
    print(jax.jit(kernel)(*tuple(_d.values())))

</pallas_src>

<mosaic_0001>
#map = affine_map<(d0, d1) -> (0)>
module attributes {stable_mosaic.version = 14 : i64} {
  func.func @_hist_body(%arg0: i32, %arg1: i32, %arg2: memref<640000xi32, #tpu.memory_space<hbm>>, %arg3: memref<10240xf32, #tpu.memory_space<hbm>>, %arg4: memref<20480xf32, #tpu.memory_space<hbm>>, %arg5: memref<16x10240xf32, #tpu.memory_space<vmem_shared>>, %arg6: memref<10240xf32, #tpu.memory_space<vmem>>, %arg7: memref<20000xi32, #tpu.memory_space<vmem>>, %arg8: memref<16x640xf32, #tpu.memory_space<vmem>>, %arg9: memref<640xf32, #tpu.memory_space<vmem>>) attributes {dimension_semantics = [#tpu.dimension_semantics<core_parallel>, #tpu.dimension_semantics<subcore_parallel>], iteration_bounds = array<i64: 2, 16>, scalar_prefetch = 0 : i64, scratch_operands = 5 : i64, tpu.core_type = #tpu.core_type<sc_vector_subcore>, window_params = [{transform_indices = #map}, {transform_indices = #map}, {transform_indices = #map}]} {
    "tpu.region"() ({
      %run_scoped3A = tpu.sem_alloc : memref<!tpu.dma_semaphore, #tpu.memory_space<semaphore_mem>>
      tpu.enqueue_dma source(%arg3 : memref<10240xf32, #tpu.memory_space<hbm>>) target(%arg6 : memref<10240xf32, #tpu.memory_space<vmem>>) target_semaphore(%run_scoped3A : memref<!tpu.dma_semaphore, #tpu.memory_space<semaphore_mem>>)
      tpu.wait_dma2 semaphore(%run_scoped3A : memref<!tpu.dma_semaphore, #tpu.memory_space<semaphore_mem>>) src(%arg3 : memref<10240xf32, #tpu.memory_space<hbm>>) dst(%arg6 : memref<10240xf32, #tpu.memory_space<vmem>>)
      tpu.yield
    }) : () -> ()
    %mul3A = arith.constant 320000 : i32
    %mul3A_0 = arith.muli %arg0, %mul3A : i32
    %mul3A_1 = arith.constant 20000 : i32
    %mul3A_2 = arith.muli %arg1, %mul3A_1 : i32
    %add3A = arith.addi %mul3A_0, %mul3A_2 : i32
    "tpu.region"() ({
      %run_scoped3A = tpu.sem_alloc : memref<!tpu.dma_semaphore, #tpu.memory_space<semaphore_mem>>
      %dma_start3A = tpu.memref_slice %arg2[%add3A] : memref<640000xi32, #tpu.memory_space<hbm>> -> memref<20000xi32, #tpu.memory_space<hbm>>
      %dma_start3A_18 = tpu.memref_slice %arg2[%add3A] : memref<640000xi32, #tpu.memory_space<hbm>> -> memref<20000xi32, #tpu.memory_space<hbm>>
      tpu.enqueue_dma source(%dma_start3A_18 : memref<20000xi32, #tpu.memory_space<hbm>>) target(%arg7 : memref<20000xi32, #tpu.memory_space<vmem>>) target_semaphore(%run_scoped3A : memref<!tpu.dma_semaphore, #tpu.memory_space<semaphore_mem>>)
      %dma_wait3A = tpu.memref_slice %arg2[%add3A] : memref<640000xi32, #tpu.memory_space<hbm>> -> memref<20000xi32, #tpu.memory_space<hbm>>
      %dma_wait3A_19 = tpu.memref_slice %arg2[%add3A] : memref<640000xi32, #tpu.memory_space<hbm>> -> memref<20000xi32, #tpu.memory_space<hbm>>
      tpu.wait_dma2 semaphore(%run_scoped3A : memref<!tpu.dma_semaphore, #tpu.memory_space<semaphore_mem>>) src(%dma_wait3A_19 : memref<20000xi32, #tpu.memory_space<hbm>>) dst(%arg7 : memref<20000xi32, #tpu.memory_space<vmem>>)
      tpu.yield
    }) : () -> ()
    %broadcast_in_dim3A = arith.constant 1.000000e+00 : f32
    %broadcast_in_dim3A_3 = vector.broadcast %broadcast_in_dim3A : f32 to vector<16xf32>
    %scan3A = arith.constant 0 : i32
    %scan3A_4 = arith.constant 1250 : i32
    %scan3A_5 = arith.addi %scan3A, %scan3A_4 : i32
    %scan3A_6 = arith.constant 1 : i32
    scf.for %scan3A_18 = %scan3A to %scan3A_5 step %scan3A_6  : i32 {
      %mul3A_19 = arith.constant 1 : i32
      %mul3A_20 = arith.muli %scan3A_18, %mul3A_19 : i32
      %add3A_21 = arith.constant 0 : i32
      %add3A_22 = arith.addi %add3A_21, %mul3A_20 : i32
      %mul3A_23 = arith.constant 16 : i32
      %mul3A_24 = arith.muli %add3A_22, %mul3A_23 : i32
      %get3A = arith.index_cast %mul3A_24 : i32 to index
      %get3A_25 = tpu.vector_load %arg7[%get3A] {strides = array<i32>} : memref<20000xi32, #tpu.memory_space<vmem>>, vector<16xi32>,
      tpu.vector_store_idx %arg6[%get3A_25], %broadcast_in_dim3A_3 {add = true} : memref<10240xf32, #tpu.memory_space<vmem>>[vector<16xi32>], vector<16xf32>,
    }
    %scan3A_7 = arith.constant 1250 : i32
    "tpu.region"() ({
      %run_scoped3A = tpu.sem_alloc : memref<!tpu.dma_semaphore, #tpu.memory_space<semaphore_mem>>
      %dma_start3A = arith.constant 0 : i32
      %dma_start3A_18 = tpu.memref_slice %arg5[%arg1, %dma_start3A] : memref<16x10240xf32, #tpu.memory_space<vmem_shared>> -> memref<1x10240xf32, #tpu.memory_space<vmem_shared>>
      %dma_start3A_19 = tpu.memref_squeeze %dma_start3A_18 : memref<1x10240xf32, #tpu.memory_space<vmem_shared>> -> memref<10240xf32, #tpu.memory_space<vmem_shared>>
      %dma_start3A_20 = arith.constant 0 : i32
      %dma_start3A_21 = tpu.memref_slice %arg5[%arg1, %dma_start3A_20] : memref<16x10240xf32, #tpu.memory_space<vmem_shared>> -> memref<1x10240xf32, #tpu.memory_space<vmem_shared>>
      %dma_start3A_22 = tpu.memref_squeeze %dma_start3A_21 : memref<1x10240xf32, #tpu.memory_space<vmem_shared>> -> memref<10240xf32, #tpu.memory_space<vmem_shared>>
      tpu.enqueue_dma source(%arg6 : memref<10240xf32, #tpu.memory_space<vmem>>) target(%dma_start3A_22 : memref<10240xf32, #tpu.memory_space<vmem_shared>>) target_semaphore(%run_scoped3A : memref<!tpu.dma_semaphore, #tpu.memory_space<semaphore_mem>>)
      %dma_wait3A = arith.constant 0 : i32
      %dma_wait3A_23 = tpu.memref_slice %arg5[%arg1, %dma_wait3A] : memref<16x10240xf32, #tpu.memory_space<vmem_shared>> -> memref<1x10240xf32, #tpu.memory_space<vmem_shared>>
      %dma_wait3A_24 = tpu.memref_squeeze %dma_wait3A_23 : memref<1x10240xf32, #tpu.memory_space<vmem_shared>> -> memref<10240xf32, #tpu.memory_space<vmem_shared>>
      %dma_wait3A_25 = arith.constant 0 : i32
      %dma_wait3A_26 = tpu.memref_slice %arg5[%arg1, %dma_wait3A_25] : memref<16x10240xf32, #tpu.memory_space<vmem_shared>> -> memref<1x10240xf32, #tpu.memory_space<vmem_shared>>
      %dma_wait3A_27 = tpu.memref_squeeze %dma_wait3A_26 : memref<1x10240xf32, #tpu.memory_space<vmem_shared>> -> memref<10240xf32, #tpu.memory_space<vmem_shared>>
      tpu.wait_dma2 semaphore(%run_scoped3A : memref<!tpu.dma_semaphore, #tpu.memory_space<semaphore_mem>>) src(%arg6 : memref<10240xf32, #tpu.memory_space<vmem>>) dst(%dma_wait3A_27 : memref<10240xf32, #tpu.memory_space<vmem_shared>>)
      tpu.yield
    }) : () -> ()
    %barrier3A = arith.constant 0 : index
    tpu.barrier barrier_id(%barrier3A)
    %mul3A_8 = arith.constant 640 : i32
    %mul3A_9 = arith.muli %arg1, %mul3A_8 : i32
    "tpu.region"() ({
      %run_scoped3A = tpu.sem_alloc : memref<!tpu.dma_semaphore, #tpu.memory_space<semaphore_mem>>
      %dma_start3A = arith.constant 0 : i32
      %dma_start3A_18 = tpu.memref_slice %arg5[%dma_start3A, %mul3A_9] : memref<16x10240xf32, #tpu.memory_space<vmem_shared>> -> memref<16x640xf32, #tpu.memory_space<vmem_shared>>
      %dma_start3A_19 = arith.constant 0 : i32
      %dma_start3A_20 = tpu.memref_slice %arg5[%dma_start3A_19, %mul3A_9] : memref<16x10240xf32, #tpu.memory_space<vmem_shared>> -> memref<16x640xf32, #tpu.memory_space<vmem_shared>>
      tpu.enqueue_dma source(%dma_start3A_20 : memref<16x640xf32, #tpu.memory_space<vmem_shared>>) target(%arg8 : memref<16x640xf32, #tpu.memory_space<vmem>>) target_semaphore(%run_scoped3A : memref<!tpu.dma_semaphore, #tpu.memory_space<semaphore_mem>>)
      %dma_wait3A = arith.constant 0 : i32
      %dma_wait3A_21 = tpu.memref_slice %arg5[%dma_wait3A, %mul3A_9] : memref<16x10240xf32, #tpu.memory_space<vmem_shared>> -> memref<16x640xf32, #tpu.memory_space<vmem_shared>>
      %dma_wait3A_22 = arith.constant 0 : i32
      %dma_wait3A_23 = tpu.memref_slice %arg5[%dma_wait3A_22, %mul3A_9] : memref<16x10240xf32, #tpu.memory_space<vmem_shared>> -> memref<16x640xf32, #tpu.memory_space<vmem_shared>>
      tpu.wait_dma2 semaphore(%run_scoped3A : memref<!tpu.dma_semaphore, #tpu.memory_space<semaphore_mem>>) src(%dma_wait3A_23 : memref<16x640xf32, #tpu.memory_space<vmem_shared>>) dst(%arg8 : memref<16x640xf32, #tpu.memory_space<vmem>>)
      tpu.yield
    }) : () -> ()
    %scan3A_10 = arith.constant 0 : i32
    %scan3A_11 = arith.constant 40 : i32
    %scan3A_12 = arith.addi %scan3A_10, %scan3A_11 : i32
    %scan3A_13 = arith.constant 1 : i32
    scf.for %scan3A_18 = %scan3A_10 to %scan3A_12 step %scan3A_13  : i32 {
      %mul3A_19 = arith.constant 1 : i32
      %mul3A_20 = arith.muli %scan3A_18, %mul3A_19 : i32
      %add3A_21 = arith.constant 0 : i32
      %add3A_22 = arith.addi %add3A_21, %mul3A_20 : i32
      %mul3A_23 = arith.constant 16 : i32
      %mul3A_24 = arith.muli %add3A_22, %mul3A_23 : i32
      %get3A = arith.constant 0 : i32
      %get3A_25 = arith.index_cast %get3A : i32 to index
      %get3A_26 = arith.index_cast %mul3A_24 : i32 to index
      %get3A_27 = tpu.vector_load %arg8[%get3A_25, %get3A_26] {strides = array<i32>} : memref<16x640xf32, #tpu.memory_space<vmem>>, vector<16xf32>,
      %mul3A_28 = arith.constant 16 : i32
      %mul3A_29 = arith.muli %add3A_22, %mul3A_28 : i32
      %get3A_30 = arith.constant 1 : i32
      %get3A_31 = arith.index_cast %get3A_30 : i32 to index
      %get3A_32 = arith.index_cast %mul3A_29 : i32 to index
      %get3A_33 = tpu.vector_load %arg8[%get3A_31, %get3A_32] {strides = array<i32>} : memref<16x640xf32, #tpu.memory_space<vmem>>, vector<16xf32>,
      %add3A_34 = arith.addf %get3A_27, %get3A_33 : vector<16xf32>
      %mul3A_35 = arith.constant 16 : i32
      %mul3A_36 = arith.muli %add3A_22, %mul3A_35 : i32
      %get3A_37 = arith.constant 2 : i32
      %get3A_38 = arith.index_cast %get3A_37 : i32 to index
      %get3A_39 = arith.index_cast %mul3A_36 : i32 to index
      %get3A_40 = tpu.vector_load %arg8[%get3A_38, %get3A_39] {strides = array<i32>} : memref<16x640xf32, #tpu.memory_space<vmem>>, vector<16xf32>,
      %add3A_41 = arith.addf %add3A_34, %get3A_40 : vector<16xf32>
      %mul3A_42 = arith.constant 16 : i32
      %mul3A_43 = arith.muli %add3A_22, %mul3A_42 : i32
      %get3A_44 = arith.constant 3 : i32
      %get3A_45 = arith.index_cast %get3A_44 : i32 to index
      %get3A_46 = arith.index_cast %mul3A_43 : i32 to index
      %get3A_47 = tpu.vector_load %arg8[%get3A_45, %get3A_46] {strides = array<i32>} : memref<16x640xf32, #tpu.memory_space<vmem>>, vector<16xf32>,
      %add3A_48 = arith.addf %add3A_41, %get3A_47 : vector<16xf32>
      %mul3A_49 = arith.constant 16 : i32
      %mul3A_50 = arith.muli %add3A_22, %mul3A_49 : i32
      %get3A_51 = arith.constant 4 : i32
      %get3A_52 = arith.index_cast %get3A_51 : i32 to index
      %get3A_53 = arith.index_cast %mul3A_50 : i32 to index
      %get3A_54 = tpu.vector_load %arg8[%get3A_52, %get3A_53] {strides = array<i32>} : memref<16x640xf32, #tpu.memory_space<vmem>>, vector<16xf32>,
      %add3A_55 = arith.addf %add3A_48, %get3A_54 : vector<16xf32>
      %mul3A_56 = arith.constant 16 : i32
      %mul3A_57 = arith.muli %add3A_22, %mul3A_56 : i32
      %get3A_58 = arith.constant 5 : i32
      %get3A_59 = arith.index_cast %get3A_58 : i32 to index
      %get3A_60 = arith.index_cast %mul3A_57 : i32 to index
      %get3A_61 = tpu.vector_load %arg8[%get3A_59, %get3A_60] {strides = array<i32>} : memref<16x640xf32, #tpu.memory_space<vmem>>, vector<16xf32>,
      %add3A_62 = arith.addf %add3A_55, %get3A_61 : vector<16xf32>
      %mul3A_63 = arith.constant 16 : i32
      %mul3A_64 = arith.muli %add3A_22, %mul3A_63 : i32
      %get3A_65 = arith.constant 6 : i32
      %get3A_66 = arith.index_cast %get3A_65 : i32 to index
      %get3A_67 = arith.index_cast %mul3A_64 : i32 to index
      %get3A_68 = tpu.vector_load %arg8[%get3A_66, %get3A_67] {strides = array<i32>} : memref<16x640xf32, #tpu.memory_space<vmem>>, vector<16xf32>,
      %add3A_69 = arith.addf %add3A_62, %get3A_68 : vector<16xf32>
      %mul3A_70 = arith.constant 16 : i32
      %mul3A_71 = arith.muli %add3A_22, %mul3A_70 : i32
      %get3A_72 = arith.constant 7 : i32
      %get3A_73 = arith.index_cast %get3A_72 : i32 to index
      %get3A_74 = arith.index_cast %mul3A_71 : i32 to index
      %get3A_75 = tpu.vector_load %arg8[%get3A_73, %get3A_74] {strides = array<i32>} : memref<16x640xf32, #tpu.memory_space<vmem>>, vector<16xf32>,
      %add3A_76 = arith.addf %add3A_69, %get3A_75 : vector<16xf32>
      %mul3A_77 = arith.constant 16 : i32
      %mul3A_78 = arith.muli %add3A_22, %mul3A_77 : i32
      %get3A_79 = arith.constant 8 : i32
      %get3A_80 = arith.index_cast %get3A_79 : i32 to index
      %get3A_81 = arith.index_cast %mul3A_78 : i32 to index
      %get3A_82 = tpu.vector_load %arg8[%get3A_80, %get3A_81] {strides = array<i32>} : memref<16x640xf32, #tpu.memory_space<vmem>>, vector<16xf32>,
      %add3A_83 = arith.addf %add3A_76, %get3A_82 : vector<16xf32>
      %mul3A_84 = arith.constant 16 : i32
      %mul3A_85 = arith.muli %add3A_22, %mul3A_84 : i32
      %get3A_86 = arith.constant 9 : i32
      %get3A_87 = arith.index_cast %get3A_86 : i32 to index
      %get3A_88 = arith.index_cast %mul3A_85 : i32 to index
      %get3A_89 = tpu.vector_load %arg8[%get3A_87, %get3A_88] {strides = array<i32>} : memref<16x640xf32, #tpu.memory_space<vmem>>, vector<16xf32>,
      %add3A_90 = arith.addf %add3A_83, %get3A_89 : vector<16xf32>
      %mul3A_91 = arith.constant 16 : i32
      %mul3A_92 = arith.muli %add3A_22, %mul3A_91 : i32
      %get3A_93 = arith.constant 10 : i32
      %get3A_94 = arith.index_cast %get3A_93 : i32 to index
      %get3A_95 = arith.index_cast %mul3A_92 : i32 to index
      %get3A_96 = tpu.vector_load %arg8[%get3A_94, %get3A_95] {strides = array<i32>} : memref<16x640xf32, #tpu.memory_space<vmem>>, vector<16xf32>,
      %add3A_97 = arith.addf %add3A_90, %get3A_96 : vector<16xf32>
      %mul3A_98 = arith.constant 16 : i32
      %mul3A_99 = arith.muli %add3A_22, %mul3A_98 : i32
      %get3A_100 = arith.constant 11 : i32
      %get3A_101 = arith.index_cast %get3A_100 : i32 to index
      %get3A_102 = arith.index_cast %mul3A_99 : i32 to index
      %get3A_103 = tpu.vector_load %arg8[%get3A_101, %get3A_102] {strides = array<i32>} : memref<16x640xf32, #tpu.memory_space<vmem>>, vector<16xf32>,
      %add3A_104 = arith.addf %add3A_97, %get3A_103 : vector<16xf32>
      %mul3A_105 = arith.constant 16 : i32
      %mul3A_106 = arith.muli %add3A_22, %mul3A_105 : i32
      %get3A_107 = arith.constant 12 : i32
      %get3A_108 = arith.index_cast %get3A_107 : i32 to index
      %get3A_109 = arith.index_cast %mul3A_106 : i32 to index
      %get3A_110 = tpu.vector_load %arg8[%get3A_108, %get3A_109] {strides = array<i32>} : memref<16x640xf32, #tpu.memory_space<vmem>>, vector<16xf32>,
      %add3A_111 = arith.addf %add3A_104, %get3A_110 : vector<16xf32>
      %mul3A_112 = arith.constant 16 : i32
      %mul3A_113 = arith.muli %add3A_22, %mul3A_112 : i32
      %get3A_114 = arith.constant 13 : i32
      %get3A_115 = arith.index_cast %get3A_114 : i32 to index
      %get3A_116 = arith.index_cast %mul3A_113 : i32 to index
      %get3A_117 = tpu.vector_load %arg8[%get3A_115, %get3A_116] {strides = array<i32>} : memref<16x640xf32, #tpu.memory_space<vmem>>, vector<16xf32>,
      %add3A_118 = arith.addf %add3A_111, %get3A_117 : vector<16xf32>
      %mul3A_119 = arith.constant 16 : i32
      %mul3A_120 = arith.muli %add3A_22, %mul3A_119 : i32
      %get3A_121 = arith.constant 14 : i32
      %get3A_122 = arith.index_cast %get3A_121 : i32 to index
      %get3A_123 = arith.index_cast %mul3A_120 : i32 to index
      %get3A_124 = tpu.vector_load %arg8[%get3A_122, %get3A_123] {strides = array<i32>} : memref<16x640xf32, #tpu.memory_space<vmem>>, vector<16xf32>,
      %add3A_125 = arith.addf %add3A_118, %get3A_124 : vector<16xf32>
      %mul3A_126 = arith.constant 16 : i32
      %mul3A_127 = arith.muli %add3A_22, %mul3A_126 : i32
      %get3A_128 = arith.constant 15 : i32
      %get3A_129 = arith.index_cast %get3A_128 : i32 to index
      %get3A_130 = arith.index_cast %mul3A_127 : i32 to index
      %get3A_131 = tpu.vector_load %arg8[%get3A_129, %get3A_130] {strides = array<i32>} : memref<16x640xf32, #tpu.memory_space<vmem>>, vector<16xf32>,
      %add3A_132 = arith.addf %add3A_125, %get3A_131 : vector<16xf32>
      %mul3A_133 = arith.constant 16 : i32
      %mul3A_134 = arith.muli %add3A_22, %mul3A_133 : i32
      %swap3A = arith.index_cast %mul3A_134 : i32 to index
      %swap3A_135 = tpu.vector_load %arg9[%swap3A] {strides = array<i32>} : memref<640xf32, #tpu.memory_space<vmem>>, vector<16xf32>,
      tpu.vector_store %arg9[%swap3A], %add3A_132 {strides = array<i32>} : memref<640xf32, #tpu.memory_space<vmem>>, vector<16xf32>,
    }
    %scan3A_14 = arith.constant 40 : i32
    %mul3A_15 = arith.constant 10240 : i32
    %mul3A_16 = arith.muli %arg0, %mul3A_15 : i32
    %add3A_17 = arith.addi %mul3A_16, %mul3A_9 : i32
    "tpu.region"() ({
      %run_scoped3A = tpu.sem_alloc : memref<!tpu.dma_semaphore, #tpu.memory_space<semaphore_mem>>
      %dma_start3A = tpu.memref_slice %arg4[%add3A_17] : memref<20480xf32, #tpu.memory_space<hbm>> -> memref<640xf32, #tpu.memory_space<hbm>>
      %dma_start3A_18 = tpu.memref_slice %arg4[%add3A_17] : memref<20480xf32, #tpu.memory_space<hbm>> -> memref<640xf32, #tpu.memory_space<hbm>>
      tpu.enqueue_dma source(%arg9 : memref<640xf32, #tpu.memory_space<vmem>>) target(%dma_start3A_18 : memref<640xf32, #tpu.memory_space<hbm>>) target_semaphore(%run_scoped3A : memref<!tpu.dma_semaphore, #tpu.memory_space<semaphore_mem>>)
      %dma_wait3A = tpu.memref_slice %arg4[%add3A_17] : memref<20480xf32, #tpu.memory_space<hbm>> -> memref<640xf32, #tpu.memory_space<hbm>>
      %dma_wait3A_19 = tpu.memref_slice %arg4[%add3A_17] : memref<20480xf32, #tpu.memory_space<hbm>> -> memref<640xf32, #tpu.memory_space<hbm>>
      tpu.wait_dma2 semaphore(%run_scoped3A : memref<!tpu.dma_semaphore, #tpu.memory_space<semaphore_mem>>) src(%arg9 : memref<640xf32, #tpu.memory_space<vmem>>) dst(%dma_wait3A_19 : memref<640xf32, #tpu.memory_space<hbm>>)
      tpu.yield
    }) : () -> ()
    return
  }
}

</mosaic_0001>

<sc_bundles>
// kernel: _sc_hist.3.cloned.1.call-start
scs
__scs_entry_jumppad:
0x0: {  	(pc) =	sbr.rel $0x88, $3  }
0x1: {  	(tag) =	ssettag $0x0;
	lr =	simm.s32 $0x1  }
0x2: {  	[smem:$0x3F9F] =	sst lr;
	_ =	strace $0xD0000000  }
0x3: {  	_ = 	snop  }
0x4: {  	_ = 	snop  }
0x5: {  	_ = 	snop  }
0x6: {  	_ = 	snop  }
0x7: {  	_ = 	snop  }
__scs_overlays_trampoline_lowered:
0x8: {  	[smem:$0x3FAE] =	sst s0  }
0x9: {  	[smem:$0x3FAF] =	sst s1  }
0xa: {  	[smem:$0x3FB0] =	sst s2  }
0xb: {  	[smem:$0x3FB1] =	sst s3  }
0xc: {  	[smem:$0x3FB2] =	sst s4  }
0xd: {  	[smem:$0x3FB3] =	sst s5  }
0xe: {  	[smem:$0x3FB4] =	sst s6  }
0xf: {  	[smem:$0x3FB5] =	sst s7  }
0x10: {  	[smem:$0x3FB6] =	sst s8  }
0x11: {  	[smem:$0x3FB7] =	sst s9;
	s0 =	simm.s32 @!p0 $0x0  }
0x12: {  	s1 =	sld [smem:$0x3F9D];
	s0 =	simm.s32 @p0 $0x1  }
0x13: {  	[smem:$0x3FB8] =	sst s0;
	s0 =	simm.s32 @!p1 $0x0  }
0x14: {  	s2 =	sld [smem:$0x3F9C];
	s0 =	simm.s32 @p1 $0x1  }
0x15: {  	[smem:$0x3FB9] =	sst s0;
	s0 =	simm.s32 @!p2 $0x0  }
0x16: {  	s3 =	sld [smem:$0x3FDB];
	s0 =	simm.s32 @p2 $0x1  }
0x17: {  	s4 =	simm.s32 $0x1BF5;
	[smem:$0x3FBB] =	sst s0  }
0x18: {  	s0 =	sld [smem:$0x3F9E];
	_ =	swait.ge [sflag:s4], $0x0  }
0x19: {  	s7 =	sld [smem:$0x3F9F]  }
0x1a: {  	s8 =	sadd.s32 $0xFFFFE003, lr  }
0x1b: {  	s9 =	sadd.s32 $0xFFFFFEF7, lr;
	s5 =	simm.s32 $0xFFFFFFFF;
	p2 =	slt.u32 s8, $0xFFFFF086  }
0x1c: {  	p1 =	slt.u32 s9, $0xF7A;
	s5 =	simm.s32 @!p2 $0x0  }
0x1d: {  	s5 =	simm.s32 @p1 $0x1;
	p0 =	seq.s32 s7, s2  }
0x1e: {  	s7 =	smul.u32 @!p0 $0xF7A, s2;
	p2 =	seq.s32 @!p0 s5, $0x0  }
0x1f: {  	s9 =	smul.u32 $0xF7A, s1;
	s8 =	simm.s32 @!p0 $0x1BF5;
	p2 =	por !p2, p0  }
0x20: {  	[sflag:s8] =	ssyncset.s32 @!p0 $0xFFFFF086;
	s6 =	sadd.s32 @!p0 s3, s7;
	s7 =	simm.s32 @!p0 $0x108  }
0x21: {  	s3 =	sadd.s32 s3, s9;
	s6 =	sadd.s32 @!p0 $0x88, s6;
	s7 =	simm.s32 @p2 $0x1082  }
0x22: {  	[simem:s7], [sflag:s8] =	dma.local @!p0 [hbm:s6], $0xF7A  }
0x23: {  	s9 =	sor.u32 $0xD0000000, s2;
	s6 =	simm.s32 $0x108;
	_ =	swait.ge @!p0 [sflag:s8], $0x0  }
0x24: {  	s3 =	sadd.s32 $0x88, s3;
	s6 =	simm.s32 @!p1 $0x1082;
	[sflag:s4] =	ssyncset.s32 $0xFFFFF086  }
0x25: {  	[simem:s6], [sflag:s4] =	dma.local [hbm:s3], $0xF7A  }
0x26: {  	[smem:$0x3F9F] =	sst s1;
	(tag) =	ssettag s2;
	_ =	strace s9  }
0x27: {  	s1 =	sld [smem:$0x3FAF]  }
0x28: {  	s2 =	sld [smem:$0x3FB0]  }
0x29: {  	s4 =	sld [smem:$0x3FB2]  }
0x2a: {  	p0 =	seq.s32 s5, $0x0;
	s5 =	sld [smem:$0x3FB3]  }
0x2b: {  	s6 =	sld [smem:$0x3FB4]  }
0x2c: {  	s7 =	sld [smem:$0x3FB5]  }
0x2d: {  	s3 =	simm.s32 $0x108;
	s8 =	sld [smem:$0x3FB6]  }
0x2e: {  	s3 =	simm.s32 @!p0 $0x1082;
	s9 =	sld [smem:$0x3FB7]  }
0x2f: {  	lr =	sadd.s32 s0, s3;
	s0 =	sld [smem:$0x3FAE]  }
0x30: {  	s3 =	sld [smem:$0x3FB1]  }
0x31: {  	[smem:$0x3FBA] =	sst s10  }
0x32: {  	s10 =	sld [smem:$0x3FB8];
	_ =	sdelay $0x3  }
0x33: {  	p0 =	seq.s32 s10, $0x1;
	s10 =	sld [smem:$0x3FBA];
	_ =	sdelay $0x3  }
0x34: {  	[smem:$0x3FBA] =	sst s10  }
0x35: {  	s10 =	sld [smem:$0x3FB9];
	_ =	sdelay $0x3  }
0x36: {  	p1 =	seq.s32 s10, $0x1;
	s10 =	sld [smem:$0x3FBA];
	_ =	sdelay $0x3  }
0x37: {  	[smem:$0x3FBA] =	sst s10  }
0x38: {  	s10 =	sld [smem:$0x3FBB]  }
0x39: {  	_ = 	snop;
	(pc) =	sbr.ind lr, $3  }
0x3a: {  	_ = 	snop  }
0x3b: {  	_ = 	snop  }
0x3c: {  	p2 =	seq.s32 s10, $0x1;
	s10 =	sld [smem:$0x3FBA]  }
0x3d: {  	_ =	shalt  }
0x3e: {  	_ =	shalt  }
0x3f: {  	_ =	shalt  }
0x40: {  	_ =	shalt  }
0x41: {  	_ =	shalt  }
0x42: {  	_ =	shalt  }
0x43: {  	_ =	shalt  }
0x44: {  	_ =	shalt  }
0x45: {  	_ =	shalt  }
0x46: {  	_ =	shalt  }
0x47: {  	_ =	shalt  }
0x48: {  	_ =	shalt  }
0x49: {  	_ =	shalt  }
0x4a: {  	_ =	shalt  }
0x4b: {  	_ =	shalt  }
0x4c: {  	_ =	shalt  }
0x4d: {  	_ =	shalt  }
0x4e: {  	_ =	shalt  }
0x4f: {  	_ =	shalt  }
0x50: {  	_ =	shalt  }
0x51: {  	_ =	shalt  }
0x52: {  	_ =	shalt  }
0x53: {  	_ =	shalt  }
0x54: {  	_ =	shalt  }
0x55: {  	_ =	shalt  }
0x56: {  	_ =	shalt  }
0x57: {  	_ =	shalt  }
0x58: {  	_ =	shalt  }
0x59: {  	_ =	shalt  }
0x5a: {  	_ =	shalt  }
0x5b: {  	_ =	shalt  }
0x5c: {  	_ =	shalt  }
0x5d: {  	_ =	shalt  }
0x5e: {  	_ =	shalt  }
0x5f: {  	_ =	shalt  }
0x60: {  	_ =	shalt  }
0x61: {  	_ =	shalt  }
0x62: {  	_ =	shalt  }
0x63: {  	_ =	shalt  }
0x64: {  	_ =	shalt  }
0x65: {  	_ =	shalt  }
0x66: {  	_ =	shalt  }
0x67: {  	_ =	shalt  }
0x68: {  	_ =	shalt  }
0x69: {  	_ =	shalt  }
0x6a: {  	_ =	shalt  }
0x6b: {  	_ =	shalt  }
0x6c: {  	_ =	shalt  }
0x6d: {  	_ =	shalt  }
0x6e: {  	_ =	shalt  }
0x6f: {  	_ =	shalt  }
0x70: {  	_ =	shalt  }
0x71: {  	_ =	shalt  }
0x72: {  	_ =	shalt  }
0x73: {  	_ =	shalt  }
0x74: {  	_ =	shalt  }
0x75: {  	_ =	shalt  }
0x76: {  	_ =	shalt  }
0x77: {  	_ =	shalt  }
0x78: {  	_ =	shalt  }
0x79: {  	_ =	shalt  }
0x7a: {  	_ =	shalt  }
0x7b: {  	_ =	shalt  }
0x7c: {  	_ =	shalt  }
0x7d: {  	_ =	shalt  }
0x7e: {  	_ =	shalt  }
0x7f: {  	_ =	shalt  }
0x80: {  	_ =	shalt  }
0x81: {  	_ =	shalt  }
0x82: {  	_ =	shalt  }
0x83: {  	_ =	shalt  }
0x84: {  	_ =	shalt  }
0x85: {  	_ =	shalt  }
0x86: {  	_ =	shalt  }
0x87: {  	_ =	shalt  }
.Lfunc_end0:
.L_simem_size_0:
called_computation_lowered:
.L_overlay_start_0:
0x88: {  	s2 =	sld [smem:$0x3FD9]  }
0x89: {  	s3 =	sld [smem:$0x3FFE];
	_ =	sdelay $0x1  }
0x8a: {  	s1 =	srdreg.scid  }
0x8b: {  	s0 =	sand.u32 $0x1, s1  }
0x8c: {  	s18 =	sshll.u32 s0, $0xA;
	s2 =	sadd.s32 s3, s2  }
0x8d: {  	s2 =	sadd.s32 s2, s18  }
0x8e: {  	[smem:$0x3FC6] =	sst s2  }
0x8f: {  	_ = 	snop  }
0x90: {  	s2 =	sld [smem:$0x3FC9]  }
0x91: {  	s19 =	sld [smem:$0x3FC8]  }
0x92: {  	s4 =	sld [smem:$0x3FD0];
	(tm) =	ssettm $0x1  }
0x93: {  	s5 =	sld [smem:$0x3FFB];
	_ =	sdelay $0x3  }
0x94: {  	_ =	strace s5  }
0x95: {  	s5 =	sld [smem:$0x3FFC];
	_ =	sdelay $0x3  }
0x96: {  	_ =	strace s5  }
0x97: {  	s5 =	sld [smem:$0x3FFD];
	_ =	sdelay $0x3  }
0x98: {  	_ =	strace s5  }
0x99: {  	_ =	strace $0x8FFFFFFF  }
0x9a: {  	s20 =	sld [smem:$0x3FDB];
	_ =	sdelay $0x1  }
0x9b: {  	s6 =	simm.s32 $_scs_section_size  }
0x9c: {  	s7 =	simm.s32 $_size__tile_overlayer_lowered;
	s8 =	simm.s32 $_tile_overlayer_lowered  }
0x9d: {  	s23 =	simm.s32 $0x1BFF;
	s22 =	sshll.u32 s8, $0x1;
	s5 =	sadd.s32 s6, s20  }
0x9e: {  	s9 =	simm.s32 $0x0;
	s21 =	sshll.u32 s7, $0x1;
	s7 =	sadd.s32 s22, s5  }
0x9f: {  	[timem:s9], [sflag:s23] =	dma.local [hbm:s7], s21  }
0xa0: {  	_ =	swait.ge [sflag:s23], s21  }
0xa1: {  	s6 =	ssub.s32 $0x0, s21;
	[sflag:s23] =	ssyncset.done $0x0  }
0xa2: {  	[sflag:s23] =	ssyncadd.s32 s6;
	_ =	sdelay $0x1  }
0xa3: {  	s24 =	simm.s32 $0x1B8B  }
0xa4: {  	_ =	swait.ge [sflag:s24], $0x1  }
0xa5: {  	[sflag:s24] =	ssyncset.done $0x0  }
0xa6: {  	s25 =	simm.s32 $0x1B8E;
	[sflag:s24] =	ssyncadd.s32 $0xFFFFFFFF  }
0xa7: {  	s26 =	simm.s32 $execute0_lowered;
	[smem:$0x3FD2] =	sst s25  }
0xa8: {  	s6 =	sshll.u32 s26, $0x1;
	_ =	strace $0x80000046;
	[dreg:$0x1] =	wrdreg $0xFFFFFFFF  }
0xa9: {  	s28 =	simm.s32 $_size_execute0_lowered;
	s5 =	sadd.s32 s5, s6;
	[dreg:$0x0] =	wrdreg $0x0  }
0xaa: {  	s6 =	sshll.u32 s28, $0x1;
	[dreg:$0x2] =	wrdreg s5  }
0xab: {  	[dreg:$0x3] =	wrdreg s6  }
0xac: {  	[dreg:$0x4] =	wrdreg $0xC0  }
0xad: {  	_ =	task [dreg:s9], $0x5FFFF  }
0xae: {  	[dreg:$0x1] =	wrdreg $0xFFFFFFFF  }
0xaf: {  	[dreg:$0x0] =	wrdreg $0x60  }
0xb0: {  	[dreg:$0x2] =	wrdreg s2  }
0xb1: {  	[dreg:$0x3] =	wrdreg s19  }
0xb2: {  	[dreg:$0x4] =	wrdreg s4  }
0xb3: {  	[dreg:$0x5] =	wrdreg $0x0  }
0xb4: {  	[dreg:$0x6] =	wrdreg $0x9  }
0xb5: {  	_ =	task.clear_ibuf [dreg:s9], $0x7FFFF;
	_ =	strace $0x90000046  }
0xb6: {  	s29 =	simm.s32 $0x9;
	_ =	strace $0x80000048  }
0xb7: {  	_ =	swait.ge [sflag:s29], $0x1  }
0xb8: {  	[sflag:s29] =	ssyncadd.s32 $0xFFFFFFFF  }
0xb9: {  	_ =	strace $0x90000048  }
0xba: {  	_ =	sfence  }
0xbb: {  	s30 =	sld [smem:$0x0];
	_ =	sdelay $0x2  }
0xbc: {  	s31 =	sshll.u32 s1, $0xD;
	s1 =	sshrl.u32 s1, $0x2  }
0xbd: {  	s3 =	sand.u32 $0x4000, s31;
	s1 =	sadd.s32 s1, s30  }
0xbe: {  	s0 =	sor.u32 s3, s0;
	s1 =	sshll.u32 s1, $0x11  }
0xbf: {  	s0 =	sor.u32 s1, s0  }
0xc0: {  	s0 =	sadd.s32 $0x8F2B, s0  }
0xc1: {  	[sflag:s0] =	ssyncadd.remote.s32 $0x1  }
0xc2: {  	_ =	sfence.sel $0xFFFF  }
0xc3: {  	[dreg:$0x0] =	wrdreg $0xFFFFFFFF;
	(pc) =	sbr.abs _section_cstart, $3  }
0xc4: {  	[dreg:$0x1] =	wrdreg $0xFFFFFFFF  }
0xc5: {  	_ =	task.clear_ibuf [dreg:s9], $0x2FFFF;
	_ =	strace $0x9FFFFFFF  }
0xc6: {  	(tm) =	ssettm $0x7FFFFFFF  }
0xc7: {  	_ =	shalt  }
tec
execute0_lowered:
.L_overlay_start_1:
0x0: {  	(tag) =	ssettag $0x1  }
0x1: {  	s4 =	rddreg [dreg:$0x0]  }
0x2: {  	s1 =	rddreg [dreg:$0x1]  }
0x3: {  	s7 =	rddreg [dreg:$0x2]  }
0x4: {  	s6 =	rddreg [dreg:$0x3]  }
0x5: {  	s2 =	srdreg.scid;
	s0 =	rddreg [dreg:$0x4]  }
0x6: {  	s3 =	simm.s32 $0x0;
	s14 =	simm.s32 $0x1400;
	s5 =	sand.u32 $0x1, s2  }
0x7: {  	s15 =	simm.s32 $0x14000;
	s2 =	stileid.u32;
	s8 =	smul.u32 $0x4E200, s5  }
0x8: {  	s16 =	simm.s32 $0x9E80;
	s17 =	simm.s32 $0xC680;
	s9 =	smul.u32 $0x4E20, s2  }
0x9: {  	s18 =	simm.s32 $0x0;
	[smem:$0x7FF] =	sst s3;
	s13 =	smul.u32 $0x280, s2  }
0xa: {  	s10 =	sshrl.u32 s2, $0x3;
	s11 =	ssub.s32 $0x2, s5;
	s26 =	smul.u32 $0x5000, s2  }
0xb: {  	_ =	strace $0x80000047;
	s28 =	sshll.u32 s2, $0x7;
	s5 =	smul.u32 $0x2800, s5  }
0xc: {  	s10 =	smul.u32 $0x50000, s10;
	s12 =	sshrl.u32 s11, $0x1;
	s29 =	sand.u32 $0x380, s28  }
0xd: {  	s11 =	ssub.s32 s11, s12;
	s8 =	sadd.s32 s9, s8;
	s9 =	sshrl.u32 s26, $0x2  }
0xe: {  	s30 =	sadd.s32 s13, s5;
	s12 =	simm.s32 $0x80;
	s13 =	simm.s32 $0x400  }
0xf: {  	s8 =	sshrl.u32 s8, $0x3;
	s10 =	sshrl.u32 s10, $0x2;
	s31 =	sshrl.u32 s30, $0x3  }
0x10: {  	s4 =	sadd.s32 s4, s8;
	s10 =	sadd.s32 s10, s6;
	s6 =	sadd.s32 s9, s6  }
0x11: {  	s7 =	sadd.s32 s7, s31;
	s8 =	smax.u32 s11, $0x1;
	s9 =	simm.s32 $0x2800  }
0x12: {  	v0 =	vimm.f32 $1.000000000e+00;
	s11 =	simm.s32 $0x5000;
	s5 =	sadd.s32 s29, s10;
	s10 =	simm.s32 $0x1  }
.LBB2_1:
0x13: {  	[tilespmem:s9], [sflag:$0x1] =	stream.linear.gather [hbm4b:s1+s3], $0x2800, $0x38;
	[tilespmem:$0xC900] =	vst v63  }
0x14: {  	_ =	swait.ge [sflag:s10], $0x2800  }
0x15: {  	[sflag:s10] =	ssyncset.done $0x0  }
0x16: {  	[sflag:s10] =	ssyncadd.s32 $0xFFFFD800  }
0x17: {  	[tilespmem:s11], [sflag:$0x1] =	stream.linear.gather [hbm4b:s4+s3], $0x4E20, $0x38;
	[tilespmem:$0xC900] =	vst v63  }
0x18: {  	_ =	swait.ge [sflag:s10], $0x4E20  }
0x19: {  	[sflag:s10] =	ssyncset.done $0x0  }
0x1a: {  	s20 =	simm.s32 $0x0;
	s19 =	simm.s32 $0x40;
	[sflag:s10] =	ssyncadd.s32 $0xFFFFB1E0  }
.LBB2_2:
0x1b: {  	p0 =	sne.s32 s19, $0x13840;
	v1 =	vld [tilespmem:s20+$0x5000];
	_ =	sdelay $0x3  }
.Ltmp0:
0x1c: {  	(pc) =	sbr.rel @p0 .LBB2_2-.Ltmp0, $2  }
0x1d: {  	_ =	sdelay $0x2  }
0x1e: {  	s20 =	sshra.s32 s19, $0x2;
	s19 =	sadd.s32 $0x40, s19;
	[tilespmem:v1+s9+$0x0] =	vst.idx.add.f32.msk $0xffff, v0  }
0x1f: {  	v1 =	vld [tilespmem:s20+$0x5000];
	_ =	sdelay $0x7  }
0x20: {  	[tilespmem:v1+s9+$0x0] =	vst.idx.add.f32.msk $0xffff, v0  }
0x21: {  	[spmem:s5] =	stream.strided.scatter [tilespmem:s9], [sflag:$0x1], $0x2800, s13, s12, $0x38;
	[tilespmem:$0xC900] =	vst v63  }
0x22: {  	_ =	swait.ge [sflag:s10], $0x2800  }
0x23: {  	[sflag:s10] =	ssyncset.done $0x0  }
0x24: {  	[sflag:s10] =	ssyncadd.s32 $0xFFFFD800  }
0x25: {  	[bflag:$0x0] =	sbarrier.arrive $0xFFFF  }
0x26: {  	[tilespmem:s16], [sflag:$0x1] =	stream.strided.gather [spmem:s6], $0x2800, s15, s14, $0x38;
	[tilespmem:$0xC900] =	vst v63  }
0x27: {  	s19 =	simm.s32 $0x0;
	_ =	swait.ge [sflag:s10], $0x2800  }
0x28: {  	s30 =	sand.u32 $0x70, s19;
	s19 =	sand.u32 $0x1C00, s19;
	[sflag:s10] =	ssyncset.done $0x0  }
0x29: {  	s19 =	sor.u32 s30, s19;
	[sflag:s10] =	ssyncadd.s32 $0xFFFFD800  }
0x2a: {  	v1 =	vld [tilespmem:s19+$0x9F00]  }
0x2b: {  	v2 =	vld [tilespmem:s19+$0x9E80];
	_ =	sdelay $0x1  }
0x2c: {  	v3 =	vld [tilespmem:s19+$0x9F80];
	_ =	sdelay $0x1  }
0x2d: {  	v4 =	vld [tilespmem:s19+$0xA000]  }
0x2e: {  	v1 =	vadd.f32 v1, v2  }
0x2f: {  	v2 =	vld [tilespmem:s19+$0xA080]  }
0x30: {  	v1 =	vadd.f32 v3, v1  }
0x31: {  	v3 =	vld [tilespmem:s19+$0xA100]  }
0x32: {  	v1 =	vadd.f32 v4, v1  }
0x33: {  	v60 =	vld [tilespmem:s19+$0xA180]  }
0x34: {  	v1 =	vadd.f32 v2, v1  }
0x35: {  	v2 =	vld [tilespmem:s19+$0xA200]  }
0x36: {  	v1 =	vadd.f32 v3, v1  }
0x37: {  	v3 =	vld [tilespmem:s19+$0xB280]  }
0x38: {  	v1 =	vadd.f32 v60, v1  }
0x39: {  	v61 =	vld [tilespmem:s19+$0xB300]  }
0x3a: {  	v1 =	vadd.f32 v2, v1  }
0x3b: {  	v2 =	vld [tilespmem:s19+$0xB380]  }
0x3c: {  	v1 =	vadd.f32 v3, v1  }
0x3d: {  	v3 =	vld [tilespmem:s19+$0xB400]  }
0x3e: {  	v1 =	vadd.f32 v61, v1  }
0x3f: {  	v62 =	vld [tilespmem:s19+$0xB480]  }
0x40: {  	v1 =	vadd.f32 v2, v1  }
0x41: {  	v2 =	vld [tilespmem:s19+$0xB500]  }
0x42: {  	v1 =	vadd.f32 v3, v1  }
0x43: {  	v3 =	vld [tilespmem:s19+$0xB580]  }
0x44: {  	v1 =	vadd.f32 v62, v1  }
0x45: {  	v63 =	vld [tilespmem:s19+$0xB600]  }
0x46: {  	v1 =	vadd.f32 v2, v1;
	_ =	sdelay $0x1  }
0x47: {  	v1 =	vadd.f32 v3, v1;
	_ =	sdelay $0x1  }
0x48: {  	s31 =	simm.s32 $0x10;
	s21 =	simm.s32 $0x80;
	v1 =	vadd.f32 v63, v1  }
0x49: {  	s20 =	sand.u32 $0x70, s31;
	s22 =	sand.u32 $0x1C00, s21;
	s19 =	simm.s32 $0xC680  }
0x4a: {  	s20 =	sor.u32 s20, s22;
	s22 =	simm.s32 $0x20;
	[tilespmem:s19+$0x0] =	vst v1  }
.LBB2_4:
0x4b: {  	p0 =	sne.s32 s22, $0x270;
	v1 =	vld [tilespmem:s20+$0x9F00]  }
0x4c: {  	v2 =	vld [tilespmem:s20+$0x9E80];
	_ =	sdelay $0x1  }
0x4d: {  	v3 =	vld [tilespmem:s20+$0x9F80];
	_ =	sdelay $0x1  }
0x4e: {  	v4 =	vld [tilespmem:s20+$0xA000]  }
0x4f: {  	v1 =	vadd.f32 v1, v2  }
0x50: {  	v2 =	vld [tilespmem:s20+$0xA080]  }
0x51: {  	v1 =	vadd.f32 v3, v1  }
0x52: {  	v3 =	vld [tilespmem:s20+$0xA100]  }
0x53: {  	v1 =	vadd.f32 v4, v1  }
0x54: {  	v4 =	vld [tilespmem:s20+$0xA180]  }
0x55: {  	v1 =	vadd.f32 v2, v1  }
0x56: {  	v2 =	vld [tilespmem:s20+$0xA200]  }
0x57: {  	v1 =	vadd.f32 v3, v1  }
0x58: {  	v3 =	vld [tilespmem:s20+$0xB280]  }
0x59: {  	v1 =	vadd.f32 v4, v1  }
0x5a: {  	v4 =	vld [tilespmem:s20+$0xB300]  }
0x5b: {  	v1 =	vadd.f32 v2, v1  }
0x5c: {  	v2 =	vld [tilespmem:s20+$0xB380]  }
0x5d: {  	v1 =	vadd.f32 v3, v1  }
0x5e: {  	v3 =	vld [tilespmem:s20+$0xB400]  }
0x5f: {  	v1 =	vadd.f32 v4, v1  }
0x60: {  	v4 =	vld [tilespmem:s20+$0xB480]  }
0x61: {  	v1 =	vadd.f32 v2, v1  }
0x62: {  	v2 =	vld [tilespmem:s20+$0xB500]  }
0x63: {  	v1 =	vadd.f32 v3, v1  }
0x64: {  	v3 =	vld [tilespmem:s20+$0xB580]  }
0x65: {  	v1 =	vadd.f32 v4, v1  }
0x66: {  	v4 =	vld [tilespmem:s20+$0xB600]  }
0x67: {  	v1 =	vadd.f32 v2, v1;
	_ =	sdelay $0x1  }
.Ltmp1:
0x68: {  	v1 =	vadd.f32 v3, v1;
	(pc) =	sbr.rel @p0 .LBB2_4-.Ltmp1, $4  }
0x69: {  	_ = 	snop  }
0x6a: {  	s21 =	sadd.s32 $0x80, s21;
	v1 =	vadd.f32 v4, v1  }
0x6b: {  	s19 =	sadd.s32 $0x10, s19;
	s23 =	sand.u32 $0x1C00, s21;
	s20 =	sand.u32 $0x70, s22  }
0x6c: {  	s22 =	sadd.s32 $0x10, s22;
	s20 =	sor.u32 s20, s23;
	[tilespmem:s19+$0x0] =	vst v1  }
0x6d: {  	v1 =	vld [tilespmem:s20+$0x9F00]  }
0x6e: {  	v2 =	vld [tilespmem:s20+$0x9E80];
	_ =	sdelay $0x1  }
0x6f: {  	v3 =	vld [tilespmem:s20+$0x9F80];
	_ =	sdelay $0x1  }
0x70: {  	v4 =	vld [tilespmem:s20+$0xA000]  }
0x71: {  	v1 =	vadd.f32 v1, v2  }
0x72: {  	v2 =	vld [tilespmem:s20+$0xA080]  }
0x73: {  	v1 =	vadd.f32 v3, v1  }
0x74: {  	v3 =	vld [tilespmem:s20+$0xA100]  }
0x75: {  	v1 =	vadd.f32 v4, v1  }
0x76: {  	v60 =	vld [tilespmem:s20+$0xA180]  }
0x77: {  	v1 =	vadd.f32 v2, v1  }
0x78: {  	v2 =	vld [tilespmem:s20+$0xA200]  }
0x79: {  	v1 =	vadd.f32 v3, v1  }
0x7a: {  	v3 =	vld [tilespmem:s20+$0xB280]  }
0x7b: {  	v1 =	vadd.f32 v60, v1  }
0x7c: {  	v61 =	vld [tilespmem:s20+$0xB300]  }
0x7d: {  	v1 =	vadd.f32 v2, v1  }
0x7e: {  	v2 =	vld [tilespmem:s20+$0xB380]  }
0x7f: {  	v1 =	vadd.f32 v3, v1  }
0x80: {  	v3 =	vld [tilespmem:s20+$0xB400]  }
0x81: {  	v1 =	vadd.f32 v61, v1  }
0x82: {  	v62 =	vld [tilespmem:s20+$0xB480]  }
0x83: {  	v1 =	vadd.f32 v2, v1  }
0x84: {  	v2 =	vld [tilespmem:s20+$0xB500]  }
0x85: {  	v1 =	vadd.f32 v3, v1  }
0x86: {  	v3 =	vld [tilespmem:s20+$0xB580]  }
0x87: {  	v1 =	vadd.f32 v62, v1  }
0x88: {  	v63 =	vld [tilespmem:s20+$0xB600]  }
0x89: {  	v1 =	vadd.f32 v2, v1;
	_ =	sdelay $0x1  }
0x8a: {  	v1 =	vadd.f32 v3, v1;
	_ =	sdelay $0x1  }
0x8b: {  	s18 =	sadd.s32 $0x1, s18;
	v1 =	vadd.f32 v63, v1  }
0x8c: {  	s19 =	sadd.s32 $0x10, s19;
	p0 =	sne.s32 s18, s8  }
.Ltmp2:
0x8d: {  	[tilespmem:s19+$0x0] =	vst v1;
	(pc) =	sbr.rel @p0 .LBB2_1-.Ltmp2, $4  }
0x8e: {  	[hbm4b:s7+s3] =	stream.linear.scatter [tilespmem:s17], [sflag:$0x1], $0x280, $0x38;
	[tilespmem:$0xC900] =	vst v63  }
0x8f: {  	_ =	swait.ge [sflag:s10], $0x280  }
0x90: {  	[sflag:s10] =	ssyncset.done $0x0  }
0x91: {  	[sflag:s10] =	ssyncadd.s32 $0xFFFFFD80  }
0x92: {  	_ =	sfence.sel $0x180000  }
0x93: {  	[bflag:$0x0] =	sbarrier.arrive $0xFFFF  }
0x94: {  	p0 =	sne.s32 s2, $0x0;
	_ =	strace $0x90000047  }
0x95: {  	s0 =	sadd.s32 @!p0 $0x100000, s0;
	[bflag:$0x2] =	sbarrier.arrive $0xFFFF  }
0x96: {  	[sflag:s0] =	ssyncadd.tile.s32 @!p0 $0x1;
	_ =	shalt  }
.Lfunc_end2:
_tile_overlayer_lowered:
.L_overlay_start_2:
0x97: {  	(tag) =	ssettag $0x2  }
0x98: {  	s0 =	rddreg [dreg:$0x0];
	s2 =	stileid.u32  }
0x99: {  	s1 =	rddreg [dreg:$0x1];
	p0 =	sne.s32 s2, $0x0  }
0x9a: {  	s3 =	rddreg [dreg:$0x2];
	[bflag:$0x3] =	sbarrier.arrive $0xFFFF;
	s2 =	simm.s32 @!p0 $0x1C01  }
0x9b: {  	[timem:s3], [sflag:s2] =	dma.local @!p0 [hbm:s0], s1  }
0x9c: {  	s0 =	simm.s32 @!p0 $0x1  }
0x9d: {  	_ =	swait.ge @!p0 [sflag:s0], s1  }
0x9e: {  	s1 =	ssub.s32 @!p0 $0x0, s1;
	[sflag:s0] =	ssyncset.done @!p0 $0x0  }
0x9f: {  	[sflag:s0] =	ssyncadd.s32 @!p0 s1  }
0xa0: {  	[bflag:$0x3] =	sbarrier.arrive $0xFFFF  }
0xa1: {  	_ =	shalt  }

</sc_bundles>
